<compile_context>
chip_gen: v7x
topology: tpu7x:2x2x1
jax: 0.10.2.dev20260603
libtpu: 0.0.44.dev20260713+nightly
codegen_flags: <defaults>
</compile_context>

<pallas_src>
import jax
import jax.numpy as jnp
from jax import lax
from jax.experimental import pallas as pl

_XROW = 128
_LANES = 2048


def _ple_body(x_ref, sel_ref, lo_ref, hi_ref, g0_ref, l15_ref, o_ref):
    xv = x_ref[...]
    sel = sel_ref[...]
    xb = lax.dot_general(xv, sel, (((1,), (0,)), ((), ())),
                         precision=lax.Precision.HIGHEST,
                         preferred_element_type=jnp.float32)
    lo = lo_ref[...]
    hi = hi_ref[...]
    g0 = g0_ref[...] != 0
    l15 = l15_ref[...] != 0
    left = (xb < lo) & g0
    right = (xb >= hi) & l15
    t = (xb - lo) / (hi - lo)
    enc = jnp.where(left, 0.0, 1.0)
    o_ref[...] = jnp.where(right == left, t, enc)


def kernel(x, bins):
    n = x.shape[0]
    nb = bins.shape[0]
    rows = n // _XROW
    x3 = x.reshape(rows, _XROW)

    lo1 = bins
    hi1 = jnp.concatenate([bins[1:], jnp.array([-1.0], dtype=bins.dtype)])
    reps = _LANES // nb
    lo = jnp.tile(lo1, reps).reshape(1, _LANES)
    hi = jnp.tile(hi1, reps).reshape(1, _LANES)
    j = jnp.arange(_LANES, dtype=jnp.int32) % nb
    g0 = (j > 0).astype(jnp.int32).reshape(1, _LANES)
    l15 = (j < nb - 1).astype(jnp.int32).reshape(1, _LANES)
    L = jnp.arange(_LANES, dtype=jnp.int32)
    slot = 8 * (L // 128) + (L % 128) // nb
    sel = (slot[None, :] == jnp.arange(_XROW, dtype=jnp.int32)[:, None]
           ).astype(jnp.float32)

    blk = 1000
    grid = (rows + blk - 1) // blk
    rep = lambda i: (0, 0)
    out = pl.pallas_call(
        _ple_body,
        grid=(grid,),
        in_specs=[
            pl.BlockSpec((blk, _XROW), lambda i: (i, 0)),
            pl.BlockSpec((_XROW, _LANES), rep),
            pl.BlockSpec((1, _LANES), rep),
            pl.BlockSpec((1, _LANES), rep),
            pl.BlockSpec((1, _LANES), rep),
            pl.BlockSpec((1, _LANES), rep),
        ],
        out_specs=pl.BlockSpec((blk, _LANES), lambda i: (i, 0)),
        out_shape=jax.ShapeDtypeStruct((rows, _LANES), jnp.float32),
    )(x3, sel, lo, hi, g0, l15)
    return out.reshape(n, 1, nb)

# --- scband reference (transcript-rebuilt; emitter-appended) ---
"""Pipeline reference for scband-ple-25915832664240 (READ-ONLY COPY).

The authoritative reference and input builder live on the scoring server;
editing this copy changes nothing except your own understanding.
"""

import jax, jax.numpy as jnp
import numpy as np

N_BINS = 16
N = 2000000


def setup_inputs(seed: int = 0) -> dict:
    key = jax.random.key(seed)
    k1, _ = jax.random.split(key)
    x = jax.random.uniform(k1, (N, 1), dtype=jnp.float32)
    # bin boundaries produced by adapt(): quantiles of uniform data ~ evenly spaced,
    # stored as the StaticHashTable values for keys 0..n_bins-1
    bins = jnp.linspace(0.0, 1.0, N_BINS, dtype=jnp.float32)
    return {"x": x, "bins": bins}


def reference(x, bins):
    n_bins = bins.shape[0]
    # lookup_table.lookup(i) == bins[i] for i in [0, n_bins), default -1 for i == n_bins
    bins_ext = jnp.concatenate([bins, jnp.array([-1.0], dtype=bins.dtype)])
    idx = jnp.arange(1, n_bins + 1)  # i = 1..n_bins (static loop in the TF code)
    lo = bins[idx - 1]               # lookup(i-1), shape [n_bins]
    hi = bins_ext[idx]               # lookup(i),   shape [n_bins]
    # x: [N, 1] broadcast against [n_bins] -> [N, n_bins]; matches
    # transpose(squeeze(stack_over_i)) in the TF code
    left_masks = (x < lo[None, :]) & (idx[None, :] > 1)
    right_masks = (x >= hi[None, :]) & (idx[None, :] < n_bins)
    other_case = (x - lo[None, :]) / (hi[None, :] - lo[None, :])
    other_mask = right_masks == left_masks
    ple_one = jnp.ones_like(other_case)
    ple_zero = jnp.zeros_like(other_case)
    enc = jnp.where(left_masks, ple_zero, ple_one)
    enc = jnp.where(other_mask, other_case, enc)
    return enc.reshape(-1, 1, n_bins)

if __name__ == "__main__":
    import jax
    _d = setup_inputs()
    print(jax.jit(kernel)(*tuple(_d.values())))

</pallas_src>

<mosaic_0001>
module attributes {stable_mosaic.version = 14 : i64} {
  func.func @_ple_body(%arg0: i32, %arg1: memref<1000x128xf32, #tpu.memory_space<vmem>>, %arg2: memref<128x2048xf32, #tpu.memory_space<vmem>>, %arg3: memref<1x2048xf32, #tpu.memory_space<vmem>>, %arg4: memref<1x2048xf32, #tpu.memory_space<vmem>>, %arg5: memref<1x2048xi32, #tpu.memory_space<vmem>>, %arg6: memref<1x2048xi32, #tpu.memory_space<vmem>>, %arg7: memref<1000x2048xf32, #tpu.memory_space<vmem>>) attributes {dimension_semantics = [#tpu.dimension_semantics<arbitrary>], iteration_bounds = array<i64: 16>, scalar_prefetch = 0 : i64, scratch_operands = 0 : i64, tpu.core_type = #tpu.core_type<tc>, window_params = [{transform_indices = @transform_0, window_bounds = array<i64: 1000, 128>}, {pipeline_mode = #tpu.pipeline_mode<synchronous>, transform_indices = @transform_1, window_bounds = array<i64: 128, 2048>}, {pipeline_mode = #tpu.pipeline_mode<synchronous>, transform_indices = @transform_2, window_bounds = array<i64: 1, 2048>}, {pipeline_mode = #tpu.pipeline_mode<synchronous>, transform_indices = @transform_3, window_bounds = array<i64: 1, 2048>}, {pipeline_mode = #tpu.pipeline_mode<synchronous>, transform_indices = @transform_4, window_bounds = array<i64: 1, 2048>}, {pipeline_mode = #tpu.pipeline_mode<synchronous>, transform_indices = @transform_5, window_bounds = array<i64: 1, 2048>}, {transform_indices = @transform_6, window_bounds = array<i64: 1000, 2048>}]} {
    %get3A = arith.constant 0 : index
    %get3A_0 = arith.constant 0 : index
    %get3A_1 = vector.load %arg1[%get3A, %get3A_0] : memref<1000x128xf32, #tpu.memory_space<vmem>>, vector<1000x128xf32>
    %get3A_2 = arith.constant 0 : index
    %get3A_3 = arith.constant 0 : index
    %get3A_4 = vector.load %arg2[%get3A_2, %get3A_3] : memref<128x2048xf32, #tpu.memory_space<vmem>>, vector<128x2048xf32>
    %dot_general3A = arith.constant dense<0.000000e+00> : vector<1000x2048xf32>
    %dot_general3A_5 = tpu.matmul %get3A_1, %get3A_4, %dot_general3A {dimension_numbers = #tpu.dot_dimension_numbers<[1], [0], [0], [1], [0, 0, 1, 1], [], []>, precision = #tpu.contract_precision<fp32>, transpose_lhs_hint = false} : vector<1000x128xf32>, vector<128x2048xf32>, vector<1000x2048xf32> -> vector<1000x2048xf32>
    %get3A_6 = arith.constant 0 : index
    %get3A_7 = arith.constant 0 : index
    %get3A_8 = vector.load %arg3[%get3A_6, %get3A_7] : memref<1x2048xf32, #tpu.memory_space<vmem>>, vector<1x2048xf32>
    %get3A_9 = arith.constant 0 : index
    %get3A_10 = arith.constant 0 : index
    %get3A_11 = vector.load %arg4[%get3A_9, %get3A_10] : memref<1x2048xf32, #tpu.memory_space<vmem>>, vector<1x2048xf32>
    %get3A_12 = arith.constant 0 : index
    %get3A_13 = arith.constant 0 : index
    %get3A_14 = vector.load %arg5[%get3A_12, %get3A_13] : memref<1x2048xi32, #tpu.memory_space<vmem>>, vector<1x2048xi32>
    %ne3A = arith.constant 0 : i32
    %ne3A_15 = vector.broadcast %ne3A : i32 to vector<1x2048xi32>
    %ne3A_16 = arith.cmpi ne, %get3A_14, %ne3A_15 : vector<1x2048xi32>
    %get3A_17 = arith.constant 0 : index
    %get3A_18 = arith.constant 0 : index
    %get3A_19 = vector.load %arg6[%get3A_17, %get3A_18] : memref<1x2048xi32, #tpu.memory_space<vmem>>, vector<1x2048xi32>
    %ne3A_20 = arith.constant 0 : i32
    %ne3A_21 = vector.broadcast %ne3A_20 : i32 to vector<1x2048xi32>
    %ne3A_22 = arith.cmpi ne, %get3A_19, %ne3A_21 : vector<1x2048xi32>
    %lt3A = vector.broadcast %get3A_8 : vector<1x2048xf32> to vector<1000x2048xf32>
    %lt3A_23 = arith.cmpf olt, %dot_general3A_5, %lt3A : vector<1000x2048xf32>
    %and3A = vector.broadcast %ne3A_16 : vector<1x2048xi1> to vector<1000x2048xi1>
    %and3A_24 = arith.andi %lt3A_23, %and3A : vector<1000x2048xi1>
    %ge3A = vector.broadcast %get3A_11 : vector<1x2048xf32> to vector<1000x2048xf32>
    %ge3A_25 = arith.cmpf oge, %dot_general3A_5, %ge3A : vector<1000x2048xf32>
    %and3A_26 = vector.broadcast %ne3A_22 : vector<1x2048xi1> to vector<1000x2048xi1>
    %and3A_27 = arith.andi %ge3A_25, %and3A_26 : vector<1000x2048xi1>
    %sub3A = vector.broadcast %get3A_8 : vector<1x2048xf32> to vector<1000x2048xf32>
    %sub3A_28 = arith.subf %dot_general3A_5, %sub3A : vector<1000x2048xf32>
    %sub3A_29 = arith.subf %get3A_11, %get3A_8 : vector<1x2048xf32>
    %div3A = vector.broadcast %sub3A_29 : vector<1x2048xf32> to vector<1000x2048xf32>
    %div3A_30 = arith.divf %sub3A_28, %div3A : vector<1000x2048xf32>
    %jit3A = arith.constant 0.000000e+00 : f32
    %jit3A_31 = arith.constant 1.000000e+00 : f32
    %broadcast_in_dim3A = vector.broadcast %jit3A : f32 to vector<1000x2048xf32>
    %broadcast_in_dim3A_32 = vector.broadcast %jit3A_31 : f32 to vector<1000x2048xf32>
    %select_n3A = arith.select %and3A_24, %broadcast_in_dim3A, %broadcast_in_dim3A_32 : vector<1000x2048xi1>, vector<1000x2048xf32>
    %eq3A = arith.xori %and3A_27, %and3A_24 : vector<1000x2048xi1>
    %eq3A_33 = arith.constant dense<true> : vector<1000x2048xi1>
    %eq3A_34 = arith.xori %eq3A, %eq3A_33 : vector<1000x2048xi1>
    %select_n3A_35 = arith.select %eq3A_34, %div3A_30, %select_n3A : vector<1000x2048xi1>, vector<1000x2048xf32>
    %swap3A = arith.constant 0 : index
    %swap3A_36 = arith.constant 0 : index
    %swap3A_37 = vector.load %arg7[%swap3A, %swap3A_36] : memref<1000x2048xf32, #tpu.memory_space<vmem>>, vector<1000x2048xf32>
    tpu.vector_store %arg7[%swap3A, %swap3A_36], %select_n3A_35 {strides = array<i32>} : memref<1000x2048xf32, #tpu.memory_space<vmem>>, vector<1000x2048xf32>,
    return
  }
  func.func @transform_0(%arg0: i32) -> (i32, i32) {
    %c0_i32 = arith.constant 0 : i32
    %c0_i32_0 = arith.constant 0 : i32
    return %arg0, %c0_i32 : i32, i32
  }
  func.func @transform_1(%arg0: i32) -> (i32, i32) {
    %c0_i32 = arith.constant 0 : i32
    %c0_i32_0 = arith.constant 0 : i32
    %c0_i32_1 = arith.constant 0 : i32
    return %c0_i32, %c0_i32_0 : i32, i32
  }
  func.func @transform_2(%arg0: i32) -> (i32, i32) {
    %c0_i32 = arith.constant 0 : i32
    %c0_i32_0 = arith.constant 0 : i32
    %c0_i32_1 = arith.constant 0 : i32
    return %c0_i32, %c0_i32_0 : i32, i32
  }
  func.func @transform_3(%arg0: i32) -> (i32, i32) {
    %c0_i32 = arith.constant 0 : i32
    %c0_i32_0 = arith.constant 0 : i32
    %c0_i32_1 = arith.constant 0 : i32
    return %c0_i32, %c0_i32_0 : i32, i32
  }
  func.func @transform_4(%arg0: i32) -> (i32, i32) {
    %c0_i32 = arith.constant 0 : i32
    %c0_i32_0 = arith.constant 0 : i32
    %c0_i32_1 = arith.constant 0 : i32
    return %c0_i32, %c0_i32_0 : i32, i32
  }
  func.func @transform_5(%arg0: i32) -> (i32, i32) {
    %c0_i32 = arith.constant 0 : i32
    %c0_i32_0 = arith.constant 0 : i32
    %c0_i32_1 = arith.constant 0 : i32
    return %c0_i32, %c0_i32_0 : i32, i32
  }
  func.func @transform_6(%arg0: i32) -> (i32, i32) {
    %c0_i32 = arith.constant 0 : i32
    %c0_i32_0 = arith.constant 0 : i32
    return %arg0, %c0_i32 : i32, i32
  }
}

</mosaic_0001>

<sc_bundles>
// kernel: sparse-core-data-format-call.cloned.1.call-start
scs
called_computation_lowered:
.L_overlay_start_0:
0x0: {  	s2 =	sld [smem:$0x3FD9]  }
0x1: {  	s3 =	sld [smem:$0x3FFE];
	_ =	sdelay $0x1  }
0x2: {  	s1 =	srdreg.scid  }
0x3: {  	s0 =	sand.u32 $0x1, s1  }
0x4: {  	s18 =	sshll.u32 s0, $0xA;
	s2 =	sadd.s32 s3, s2  }
0x5: {  	s2 =	sadd.s32 s2, s18  }
0x6: {  	[smem:$0x3FC6] =	sst s2  }
0x7: {  	_ = 	snop  }
0x8: {  	s2 =	sld [smem:$0x3FD0];
	(tm) =	ssettm $0x1  }
0x9: {  	s19 =	sld [smem:$0x3FFB];
	_ =	sdelay $0x3  }
0xa: {  	_ =	strace s19  }
0xb: {  	s3 =	sld [smem:$0x3FFC];
	_ =	sdelay $0x3  }
0xc: {  	_ =	strace s3  }
0xd: {  	s3 =	sld [smem:$0x3FFD];
	_ =	sdelay $0x3  }
0xe: {  	_ =	strace s3  }
0xf: {  	_ =	strace $0x8FFFFFFF  }
0x10: {  	s20 =	sld [smem:$0x3FDB];
	_ =	sdelay $0x1  }
0x11: {  	s4 =	simm.s32 $_scs_section_size  }
0x12: {  	s5 =	simm.s32 $_size__tile_overlayer_lowered;
	s6 =	simm.s32 $_tile_overlayer_lowered  }
0x13: {  	s23 =	simm.s32 $0x1BFF;
	s22 =	sshll.u32 s6, $0x1;
	s3 =	sadd.s32 s4, s20  }
0x14: {  	s7 =	simm.s32 $0x0;
	s21 =	sshll.u32 s5, $0x1;
	s5 =	sadd.s32 s22, s3  }
0x15: {  	[timem:s7], [sflag:s23] =	dma.local [hbm:s5], s21  }
0x16: {  	_ =	swait.ge [sflag:s23], s21  }
0x17: {  	s4 =	ssub.s32 $0x0, s21;
	[sflag:s23] =	ssyncset.done $0x0  }
0x18: {  	[sflag:s23] =	ssyncadd.s32 s4;
	_ =	sdelay $0x1  }
0x19: {  	s24 =	simm.s32 $0x1B8B  }
0x1a: {  	_ =	swait.ge [sflag:s24], $0x1  }
0x1b: {  	[sflag:s24] =	ssyncset.done $0x0  }
0x1c: {  	s26 =	simm.s32 $0x1B8E;
	s25 =	sld [smem:$0x3FFE];
	[sflag:s24] =	ssyncadd.s32 $0xFFFFFFFF  }
0x1d: {  	s27 =	simm.s32 $execute0_lowered;
	[smem:$0x3FD2] =	sst s26  }
0x1e: {  	s5 =	sshll.u32 s27, $0x1;
	_ =	strace $0x80000046;
	[dreg:$0x1] =	wrdreg $0xFFFFFFFF  }
0x1f: {  	s28 =	simm.s32 $_size_execute0_lowered;
	s3 =	sadd.s32 s3, s5;
	[dreg:$0x0] =	wrdreg $0x0  }
0x20: {  	s5 =	sshll.u32 s28, $0x1;
	[dreg:$0x2] =	wrdreg s3  }
0x21: {  	[dreg:$0x3] =	wrdreg s5  }
0x22: {  	[dreg:$0x4] =	wrdreg $0xC0  }
0x23: {  	_ =	task [dreg:s7], $0x5FFFF  }
0x24: {  	[dreg:$0x1] =	wrdreg $0xFFFFFFFF  }
0x25: {  	[dreg:$0x0] =	wrdreg $0x60  }
0x26: {  	[dreg:$0x2] =	wrdreg s25  }
0x27: {  	[dreg:$0x3] =	wrdreg s2  }
0x28: {  	[dreg:$0x4] =	wrdreg $0x9  }
0x29: {  	_ =	task.clear_ibuf [dreg:s7], $0x5FFFF;
	_ =	strace $0x90000046  }
0x2a: {  	s29 =	simm.s32 $0x9;
	_ =	strace $0x80000048  }
0x2b: {  	_ =	swait.ge [sflag:s29], $0x1  }
0x2c: {  	[sflag:s29] =	ssyncadd.s32 $0xFFFFFFFF  }
0x2d: {  	_ =	strace $0x90000048  }
0x2e: {  	_ =	sfence  }
0x2f: {  	s30 =	sld [smem:$0x0];
	_ =	sdelay $0x2  }
0x30: {  	s31 =	sshll.u32 s1, $0xD;
	s1 =	sshrl.u32 s1, $0x2  }
0x31: {  	s3 =	sand.u32 $0x4000, s31;
	s1 =	sadd.s32 s1, s30  }
0x32: {  	s0 =	sor.u32 s3, s0;
	s1 =	sshll.u32 s1, $0x11  }
0x33: {  	s0 =	sor.u32 s1, s0  }
0x34: {  	s0 =	sadd.s32 $0x8F2B, s0  }
0x35: {  	[sflag:s0] =	ssyncadd.remote.s32 $0x1  }
0x36: {  	_ =	sfence.sel $0xFFFF  }
0x37: {  	[dreg:$0x0] =	wrdreg $0xFFFFFFFF;
	(pc) =	sbr.abs _section_cstart, $3  }
0x38: {  	[dreg:$0x1] =	wrdreg $0xFFFFFFFF  }
0x39: {  	_ =	task.clear_ibuf [dreg:s7], $0x2FFFF;
	_ =	strace $0x9FFFFFFF  }
0x3a: {  	(tm) =	ssettm $0x7FFFFFFF  }
0x3b: {  	_ =	shalt  }
tec
execute0_lowered:
.L_overlay_start_1:
0x0: {  	(tag) =	ssettag $0x1  }
0x1: {  	s0 =	srdreg.scid  }
0x2: {  	s1 =	sshll.u32 s0, $0x4  }
0x3: {  	s4 =	rddreg [dreg:$0x0];
	s0 =	stileid.u32;
	s1 =	sand.u32 $0x10, s1  }
0x4: {  	s2 =	rddreg [dreg:$0x1];
	s7 =	simm.s32 $0x1;
	s1 =	sor.u32 s0, s1  }
0x5: {  	s8 =	simm.s32 $0x2;
	s11 =	simm.s32 $0x0;
	s3 =	sshll.u32 s1, $0x7  }
0x6: {  	s10 =	simm.s32 $0x0;
	s4 =	sadd.s32 $0x3D1200, s4;
	s6 =	ssub.s32 $0x1E8480, s3  }
.Ltmp0:
0x7: {  	s1 =	rddreg [dreg:$0x2];
	s5 =	sand.u32 $0xF80, s6;
	(pc) =	sbr.rel .LBB1_1-.Ltmp0, $4  }
0x8: {  	_ =	strace $0x80000047;
	s9 =	smov.u32 s3;
	p0 =	sne.s32 s5, $0x0  }
0x9: {  	s6 =	sshrl.u32 s6, $0xC;
	s5 =	simm.s32 $0x1;
	s7 =	simm.s32 @!p0 $0x0  }
0xa: {  	[sflag:s5] =	ssyncpa.u1 $0x0;
	p0 =	por $0x0, $0x0;
	s6 =	sadd.s32 s7, s6  }
0xb: {  	[sflag:s8] =	ssyncpa.u1 $0x0;
	s8 =	simm.s32 $0xF42400;
	s7 =	sadd.s32 $0x1, s6  }
.LBB1_4:
0xc: {  	s14 =	sshll.u32 s11, $0x3  }
0xd: {  	s30 =	sand.u32 $0x7F, s11;
	s14 =	sand.u32 $0xFFFFFC00, s14  }
0xe: {  	s11 =	sor.u32 s30, s14  }
0xf: {  	s15 =	smulhi.u32 $0x431BDE83, s11;
	_ =	sdelay $0x1  }
0x10: {  	s14 =	smulhi.u32 $0x431BDE83, s14;
	s15 =	sshrl.u32 s15, $0x13  }
0x11: {  	s15 =	smul.u32 $0x1E8480, s15  }
0x12: {  	[tilespmem:s12+$0xFFFFFFFC ss:$0x81] =	vst.msk $0xffff, v2;
	s14 =	sshrl.u32 s14, $0x13  }
0x13: {  	[tilespmem:s12+$0xFFFFFFFD ss:$0x81] =	vst.msk $0xffff, v3;
	s14 =	sand.u32 $0xF, s14;
	s11 =	ssub.s32 s11, s15  }
0x14: {  	[tilespmem:s12+$0xFFFFFFFE ss:$0x81] =	vst.msk $0xffff, v0;
	s14 =	smul.u32 $0x3D090, s14;
	s15 =	sshrl.u32 s11, $0x3;
	s11 =	sand.u32 $0x7, s11  }
0x15: {  	[tilespmem:s12+$0xFFFFFFFF ss:$0x81] =	vst.msk $0xffff, v4;
	s15 =	sadd.s32 s2, s15;
	s11 =	sshll.u32 s11, $0x12  }
0x16: {  	[tilespmem:s12+$0xFFFFFFF9 ss:$0x81] =	vst.msk $0xffff, v1;
	s31 =	sadd.s32 s14, s15;
	s11 =	sor.u32 $0x400, s11  }
0x17: {  	[hbm4b:s31+s11] =	stream.strided.scatter [tilespmem:s13], [sflag:$0x2], $0x800, s8, s11, $0x20;
	[tilespmem:$0x2020] =	vst v63  }
.LBB1_5:
0x18: {  	s13 =	sadd.s32 $0x1000, s9  }
0x19: {  	p2 =	sgt.s32 s13, $0x1E847F  }
0x1a: {  	s13 =	smov.u32 @p2 s3;
	p2 =	sne.s32 s10, s7  }
.Ltmp1:
0x1b: {  	p1 =	slt.u32 s10, $0x2;
	(pc) =	sbr.rel @!p2 .LBB1_6-.Ltmp1, $4  }
0x1c: {  	s12 =	simm.s32 @!p1 $0x2  }
0x1d: {  	s14 =	sadd.s32 $0x1, s10;
	_ =	swait.ge @!p1 [sflag:s12], $0x800  }
0x1e: {  	s11 =	smov.u32 s9;
	p0 =	por !p0, !p0;
	[sflag:s12] =	ssyncset.done @!p1 $0x0  }
0x1f: {  	s10 =	smov.u32 s14;
	s9 =	smov.u32 s13;
	[sflag:s12] =	ssyncadd.s32 @!p1 $0xFFFFF800  }
.LBB1_1:
0x20: {  	p1 =	sge.u32 s10, s6  }
0x21: {  	s12 =	sand.u32 @!p1 $0x1FFFFFF, s9  }
0x22: {  	s13 =	smulhi.u32 @!p1 $0x218DEF5, s12;
	_ =	sdelay $0x1  }
0x23: {  	s13 =	sshrl.u32 @!p1 s13, $0xE  }
0x24: {  	s13 =	smul.u32 @!p1 $0x1E8480, s13;
	_ =	sdelay $0x1  }
0x25: {  	s31 =	sadd.s32 $0xFFFFFFFF, s10;
	s14 =	sxor.u32 @!p1 $0xFFFFFFFF, s10;
	s12 =	ssub.s32 @!p1 s12, s13  }
0x26: {  	s15 =	simm.s32 @!p1 $0x80;
	s14 =	sshll.u32 @!p1 s14, $0xB;
	s12 =	sshll.u32 @!p1 s12, $0x4  }
0x27: {  	s13 =	sand.u32 @!p1 $0x800, s14;
	s14 =	simm.s32 @!p1 $0x10;
	s12 =	sadd.s32 @!p1 s4, s12  }
0x28: {  	[tilespmem:s13], [sflag:$0x1] =	stream.strided.gather @!p1 [hbm4b:s12+s14], $0x800, s15, s14, $0x38;
	[tilespmem:$0x2020] =	vst v63  }
0x29: {  	p1 =	sge.u32 s31, s6  }
.Ltmp2:
0x2a: {  	_ = 	snop;
	(pc) =	sbr.rel @p1 .LBB1_5-.Ltmp2, $1  }
0x2b: {  	_ =	sdelay $0x3  }
0x2c: {  	s12 =	simm.s32 $0x1  }
0x2d: {  	_ =	swait.ge [sflag:s5], $0x800;
	s12 =	simm.s32 @!p0 $0x0  }
0x2e: {  	[sflag:s5] =	ssyncset.done $0x0;
	s13 =	sshll.u32 s12, $0xB  }
0x2f: {  	[sflag:s5] =	ssyncadd.s32 $0xFFFFF800;
	s15 =	sor.u32 $0x40, s13  }
0x30: {  	v1 =	vld [tilespmem:s15+$0x30]  }
0x31: {  	s12 =	smul.u32 $0x2040, s12;
	v4 =	vld [tilespmem:s15+$0xFFFFFFD0]  }
0x32: {  	v5 =	vld [tilespmem:s15+$0xFFFFFFE0]  }
0x33: {  	s31 =	sand.u32 $0x1, s10;
	s12 =	sshrl.u32 s12, $0x2;
	v2 =	vld [tilespmem:s15+$0xFFFFFFF0]  }
0x34: {  	s13 =	smul.u32 $0x2040, s31;
	v3 =	vld [tilespmem:s15+$0x0];
	s12 =	sor.u32 $0x1007, s12  }
0x35: {  	v0 =	vld [tilespmem:s15+$0x10];
	[tilespmem:s12+$0x0 ss:$0x81] =	vst.msk $0xffff, v1  }
0x36: {  	s13 =	sshrl.u32 s13, $0x2;
	[tilespmem:s12+$0xFFFFFFFA ss:$0x81] =	vst.msk $0xffff, v4;
	v4 =	vld [tilespmem:s15+$0x20]  }
0x37: {  	s14 =	simm.s32 $0x0;
	s13 =	sor.u32 $0x1000, s13;
	v1 =	vld [tilespmem:s15+$0xFFFFFFC0];
	[tilespmem:s12+$0xFFFFFFFB ss:$0x81] =	vst.msk $0xffff, v5;
	s15 =	sadd.s32 $0x80, s15  }
.LBB1_3:
0x38: {  	v5 =	vld [tilespmem:s15+$0x30];
	s14 =	sadd.s32 $0x8, s14;
	[tilespmem:s12+$0xFFFFFFFC ss:$0x81] =	vst.msk $0xffff, v2  }
0x39: {  	v6 =	vld [tilespmem:s15+$0xFFFFFFD0];
	p1 =	slt.u32 s14, $0x78;
	[tilespmem:s12+$0xFFFFFFFD ss:$0x81] =	vst.msk $0xffff, v3  }
0x3a: {  	v7 =	vld [tilespmem:s15+$0xFFFFFFE0];
	[tilespmem:s12+$0xFFFFFFFE ss:$0x81] =	vst.msk $0xffff, v0  }
.Ltmp3:
0x3b: {  	v2 =	vld [tilespmem:s15+$0xFFFFFFF0];
	[tilespmem:s12+$0xFFFFFFFF ss:$0x81] =	vst.msk $0xffff, v4;
	(pc) =	sbr.rel @p1 .LBB1_3-.Ltmp3, $4  }
0x3c: {  	v3 =	vld [tilespmem:s15+$0x0];
	[tilespmem:s12+$0xFFFFFFF9 ss:$0x81] =	vst.msk $0xffff, v1;
	s12 =	sadd.s32 $0x8, s12  }
0x3d: {  	v0 =	vld [tilespmem:s15+$0x10];
	[tilespmem:s12+$0x0 ss:$0x81] =	vst.msk $0xffff, v5  }
0x3e: {  	[tilespmem:s12+$0xFFFFFFFA ss:$0x81] =	vst.msk $0xffff, v6;
	v4 =	vld [tilespmem:s15+$0x20]  }
0x3f: {  	v1 =	vld [tilespmem:s15+$0xFFFFFFC0];
	[tilespmem:s12+$0xFFFFFFFB ss:$0x81] =	vst.msk $0xffff, v7;
	s15 =	sadd.s32 $0x80, s15  }
.Ltmp4:
0x40: {  	_ = 	snop;
	(pc) =	sbr.rel .LBB1_4-.Ltmp4, $1  }
0x41: {  	_ =	sdelay $0x3  }
.LBB1_6:
0x42: {  	_ =	sfence.sel $0x180000  }
0x43: {  	s2 =	simm.s32 $0x1;
	[bflag:$0x0] =	sbarrier.arrive $0xFFFF  }
0x44: {  	s31 =	simm.s32 $0x2;
	[sflag:s2] =	ssyncpa.u1 $0x1  }
0x45: {  	[sflag:s31] =	ssyncpa.u1 $0x1  }
0x46: {  	p0 =	sne.s32 s0, $0x0;
	_ =	strace $0x90000047  }
0x47: {  	s0 =	sadd.s32 @!p0 $0x100000, s1;
	[bflag:$0x2] =	sbarrier.arrive $0xFFFF  }
0x48: {  	[sflag:s0] =	ssyncadd.tile.s32 @!p0 $0x1;
	_ =	shalt  }
.Lfunc_end1:
_tile_overlayer_lowered:
.L_overlay_start_2:
0x49: {  	(tag) =	ssettag $0x2  }
0x4a: {  	s0 =	rddreg [dreg:$0x0];
	s2 =	stileid.u32  }
0x4b: {  	s1 =	rddreg [dreg:$0x1];
	p0 =	sne.s32 s2, $0x0  }
0x4c: {  	s3 =	rddreg [dreg:$0x2];
	[bflag:$0x3] =	sbarrier.arrive $0xFFFF;
	s2 =	simm.s32 @!p0 $0x1C01  }
0x4d: {  	[timem:s3], [sflag:s2] =	dma.local @!p0 [hbm:s0], s1  }
0x4e: {  	s0 =	simm.s32 @!p0 $0x1  }
0x4f: {  	_ =	swait.ge @!p0 [sflag:s0], s1  }
0x50: {  	s1 =	ssub.s32 @!p0 $0x0, s1;
	[sflag:s0] =	ssyncset.done @!p0 $0x0  }
0x51: {  	[sflag:s0] =	ssyncadd.s32 @!p0 s1  }
0x52: {  	[bflag:$0x3] =	sbarrier.arrive $0xFFFF  }
0x53: {  	_ =	shalt  }

</sc_bundles>
